<compile_context>
chip_gen: v7x
topology: tpu7x:2x2x1
jax: 0.10.2.dev20260603
libtpu: 0.0.44.dev20260713+nightly
codegen_flags: <defaults>
</compile_context>

<pallas_src>
import functools

import jax
import jax.numpy as jnp
from jax import lax
from jax.experimental import pallas as pl
from jax.experimental.pallas import tpu as pltpu
from jax.experimental.pallas import tpu_sc as plsc

B, H, W, C, K = 8, 128, 128, 256, 21

_NUM_ROWS = B * K
_R_PER_WORKER = 16
_NW = 11
_LAST_BASE = _NUM_ROWS - _R_PER_WORKER

_GATHER_DNUMS = lax.GatherDimensionNumbers(
    offset_dims=(), collapsed_slice_dims=(0,), start_index_map=(0,))


def _lane_gather(x, idx):
    return lax.gather(x, idx[:, None], dimension_numbers=_GATHER_DNUMS,
                      slice_sizes=(1,),
                      mode=lax.GatherScatterMode.PROMISE_IN_BOUNDS)


def _pair_sum(uvp, lanes):
    prod = jnp.where(lax.rem(lanes, jnp.int32(2)) == 0, uvp * W, uvp)
    pair = lax.rem(2 * lanes, jnp.int32(16))
    return _lane_gather(prod, pair) + _lane_gather(prod, pair + 1)


@functools.partial(
    pl.kernel,
    out_type=jax.ShapeDtypeStruct((_NUM_ROWS, C), jnp.float32),
    mesh=plsc.VectorSubcoreMesh(core_axis_name="c", subcore_axis_name="s",
                                num_cores=1, num_subcores=_NW),
    scratch_types=[
        pltpu.VMEM((2 * _R_PER_WORKER,), jnp.int32),
        pltpu.VMEM((_R_PER_WORKER,), jnp.int32),
        pltpu.VMEM((_R_PER_WORKER, C), jnp.float32),
        pltpu.SemaphoreType.DMA,
    ],
)
def _gather_rows(uv_hbm, table_hbm, out_hbm, uvw_v, idx_v, rows_v, sem):
    wid = lax.axis_index("s")
    base = jnp.minimum(wid * _R_PER_WORKER, _LAST_BASE)
    pltpu.sync_copy(uv_hbm.at[pl.ds(pl.multiple_of(2 * base, 16), 32)], uvw_v)
    lanes = lax.iota(jnp.int32, 16)
    hw = jnp.where(lanes < 8,
                   _pair_sum(uvw_v[pl.ds(0, 16)], lanes),
                   _pair_sum(uvw_v[pl.ds(16, 16)], lanes))
    b = lax.div(base + lanes, jnp.int32(K))
    idx_v[...] = b * (H * W) + hw
    pltpu.async_copy(table_hbm.at[idx_v], rows_v, sem).wait()

    @pl.when(wid < _NW - 1)
    def _():
        pltpu.sync_copy(rows_v, out_hbm.at[pl.ds(base, _R_PER_WORKER)])

    @pl.when(wid == _NW - 1)
    def _():
        pltpu.sync_copy(rows_v.at[pl.ds(8, 8)],
                        out_hbm.at[pl.ds(_LAST_BASE + 8, 8)])


def kernel(inputs, uv):
    table = inputs.reshape(B * H * W, C)
    uv_flat = uv.astype(jnp.int32).reshape(_NUM_ROWS * 2)
    out = _gather_rows(uv_flat, table)
    return out.reshape(B, K, C)

# --- scband reference (transcript-rebuilt; emitter-appended) ---
"""Pipeline reference for scband-gather-nd-5849745457212 (READ-ONLY COPY).

The authoritative reference and input builder live on the scoring server;
editing this copy changes nothing except your own understanding.
"""

import jax, jax.numpy as jnp
import numpy as np

B, H, W, C, K = 8, 128, 128, 256, 21

def _make_uv():
    i = np.arange(K)
    h = (i * 6) % H
    w = (i * 11 + 3) % W
    uv = np.stack([h, w], axis=-1)  # [21, 2]
    uv = np.tile(uv[None, :, :], (B, 1, 1)).astype(np.int64)  # [8, 21, 2]
    return jnp.asarray(uv)

def setup_inputs(seed: int = 0) -> dict:
    key = jax.random.key(seed)
    inputs = jax.random.normal(key, (B, H, W, C), dtype=jnp.float32)
    return {"inputs": inputs, "uv": _make_uv()}

def reference(inputs, uv):
    # tf.gather_nd(inputs, uv, batch_dims=1):
    # out[b, k, :] = inputs[b, uv[b, k, 0], uv[b, k, 1], :]
    b_idx = jnp.arange(inputs.shape[0])[:, None]  # [B, 1]
    out = inputs[b_idx, uv[..., 0], uv[..., 1]]   # [B, 21, C]
    return out

if __name__ == "__main__":
    import jax
    _d = setup_inputs()
    print(jax.jit(kernel)(*tuple(_d.values())))

</pallas_src>

<mosaic_0001>
#map = affine_map<(d0, d1) -> (0)>
#map1 = affine_map<(d0, d1) -> (0, 0)>
module attributes {stable_mosaic.version = 14 : i64} {
  func.func @_gather_rows(%arg0: i32, %arg1: i32, %arg2: memref<336xi32, #tpu.memory_space<hbm>>, %arg3: memref<131072x256xf32, #tpu.memory_space<hbm>>, %arg4: memref<168x256xf32, #tpu.memory_space<hbm>>, %arg5: memref<32xi32, #tpu.memory_space<vmem>>, %arg6: memref<16xi32, #tpu.memory_space<vmem>>, %arg7: memref<16x256xf32, #tpu.memory_space<vmem>>, %arg8: memref<!tpu.dma_semaphore, #tpu.memory_space<semaphore_mem>>) attributes {dimension_semantics = [#tpu.dimension_semantics<core_parallel>, #tpu.dimension_semantics<subcore_parallel>], iteration_bounds = array<i64: 1, 11>, scalar_prefetch = 0 : i64, scratch_operands = 4 : i64, tpu.core_type = #tpu.core_type<sc_vector_subcore>, window_params = [{transform_indices = #map}, {transform_indices = #map1}, {transform_indices = #map1}]} {
    %mul3A = arith.constant 16 : i32
    %mul3A_0 = arith.muli %arg1, %mul3A : i32
    %min3A = arith.constant 152 : i32
    %min3A_1 = arith.minsi %mul3A_0, %min3A : i32
    %mul3A_2 = arith.constant 2 : i32
    %mul3A_3 = arith.muli %mul3A_2, %min3A_1 : i32
    %multiple_of3A = tpu.assume_multiple %mul3A_3, 16 : i32
    "tpu.region"() ({
      %run_scoped3A = tpu.sem_alloc : memref<!tpu.dma_semaphore, #tpu.memory_space<semaphore_mem>>
      %dma_start3A_81 = tpu.memref_slice %arg2[%multiple_of3A] : memref<336xi32, #tpu.memory_space<hbm>> -> memref<32xi32, #tpu.memory_space<hbm>>
      %dma_start3A_82 = tpu.memref_slice %arg2[%multiple_of3A] : memref<336xi32, #tpu.memory_space<hbm>> -> memref<32xi32, #tpu.memory_space<hbm>>
      tpu.enqueue_dma source(%dma_start3A_82 : memref<32xi32, #tpu.memory_space<hbm>>) target(%arg5 : memref<32xi32, #tpu.memory_space<vmem>>) target_semaphore(%run_scoped3A : memref<!tpu.dma_semaphore, #tpu.memory_space<semaphore_mem>>)
      %dma_wait3A_83 = tpu.memref_slice %arg2[%multiple_of3A] : memref<336xi32, #tpu.memory_space<hbm>> -> memref<32xi32, #tpu.memory_space<hbm>>
      %dma_wait3A_84 = tpu.memref_slice %arg2[%multiple_of3A] : memref<336xi32, #tpu.memory_space<hbm>> -> memref<32xi32, #tpu.memory_space<hbm>>
      tpu.wait_dma2 semaphore(%run_scoped3A : memref<!tpu.dma_semaphore, #tpu.memory_space<semaphore_mem>>) src(%dma_wait3A_84 : memref<32xi32, #tpu.memory_space<hbm>>) dst(%arg5 : memref<32xi32, #tpu.memory_space<vmem>>)
      tpu.yield
    }) : () -> ()
    %iota3A = tpu.iota {dimensions = array<i32: 0>} : vector<16xi32>
    %lt3A = arith.constant 8 : i32
    %lt3A_4 = vector.broadcast %lt3A : i32 to vector<16xi32>
    %lt3A_5 = arith.cmpi slt, %iota3A, %lt3A_4 : vector<16xi32>
    %get3A = arith.constant 0 : index
    %get3A_6 = tpu.vector_load %arg5[%get3A] {strides = array<i32>} : memref<32xi32, #tpu.memory_space<vmem>>, vector<16xi32>,
    %get3A_7 = vector.shape_cast %get3A_6 : vector<16xi32> to vector<16xi32>
    %rem3A = arith.constant 2 : i32
    %rem3A_8 = vector.broadcast %rem3A : i32 to vector<16xi32>
    %rem3A_9 = arith.remsi %iota3A, %rem3A_8 : vector<16xi32>
    %eq3A = arith.constant 0 : i32
    %eq3A_10 = vector.broadcast %eq3A : i32 to vector<16xi32>
    %eq3A_11 = arith.cmpi eq, %rem3A_9, %eq3A_10 : vector<16xi32>
    %mul3A_12 = arith.constant 128 : i32
    %mul3A_13 = vector.broadcast %mul3A_12 : i32 to vector<16xi32>
    %mul3A_14 = arith.muli %get3A_7, %mul3A_13 : vector<16xi32>
    %select_n3A = arith.select %eq3A_11, %mul3A_14, %get3A_7 : vector<16xi1>, vector<16xi32>
    %mul3A_15 = arith.constant 2 : i32
    %mul3A_16 = vector.broadcast %mul3A_15 : i32 to vector<16xi32>
    %mul3A_17 = arith.muli %mul3A_16, %iota3A : vector<16xi32>
    %rem3A_18 = arith.constant 16 : i32
    %rem3A_19 = vector.broadcast %rem3A_18 : i32 to vector<16xi32>
    %rem3A_20 = arith.remsi %mul3A_17, %rem3A_19 : vector<16xi32>
    %broadcast_in_dim3A = vector.shape_cast %rem3A_20 : vector<16xi32> to vector<16x1xi32>
    %gather3A = vector.shape_cast %broadcast_in_dim3A : vector<16x1xi32> to vector<16xi32>
    %gather3A_21 = tpu.dynamic_gather %select_n3A[%gather3A] in [0] : vector<16xi32>, vector<16xi32> -> vector<16xi32>
    %add3A = arith.constant 1 : i32
    %add3A_22 = vector.broadcast %add3A : i32 to vector<16xi32>
    %add3A_23 = arith.addi %rem3A_20, %add3A_22 : vector<16xi32>
    %broadcast_in_dim3A_24 = vector.shape_cast %add3A_23 : vector<16xi32> to vector<16x1xi32>
    %gather3A_25 = vector.shape_cast %broadcast_in_dim3A_24 : vector<16x1xi32> to vector<16xi32>
    %gather3A_26 = tpu.dynamic_gather %select_n3A[%gather3A_25] in [0] : vector<16xi32>, vector<16xi32> -> vector<16xi32>
    %add3A_27 = arith.addi %gather3A_21, %gather3A_26 : vector<16xi32>
    %get3A_28 = arith.constant 16 : index
    %get3A_29 = tpu.vector_load %arg5[%get3A_28] {strides = array<i32>} : memref<32xi32, #tpu.memory_space<vmem>>, vector<16xi32>,
    %get3A_30 = vector.shape_cast %get3A_29 : vector<16xi32> to vector<16xi32>
    %rem3A_31 = arith.constant 2 : i32
    %rem3A_32 = vector.broadcast %rem3A_31 : i32 to vector<16xi32>
    %rem3A_33 = arith.remsi %iota3A, %rem3A_32 : vector<16xi32>
    %eq3A_34 = arith.constant 0 : i32
    %eq3A_35 = vector.broadcast %eq3A_34 : i32 to vector<16xi32>
    %eq3A_36 = arith.cmpi eq, %rem3A_33, %eq3A_35 : vector<16xi32>
    %mul3A_37 = arith.constant 128 : i32
    %mul3A_38 = vector.broadcast %mul3A_37 : i32 to vector<16xi32>
    %mul3A_39 = arith.muli %get3A_30, %mul3A_38 : vector<16xi32>
    %select_n3A_40 = arith.select %eq3A_36, %mul3A_39, %get3A_30 : vector<16xi1>, vector<16xi32>
    %mul3A_41 = arith.constant 2 : i32
    %mul3A_42 = vector.broadcast %mul3A_41 : i32 to vector<16xi32>
    %mul3A_43 = arith.muli %mul3A_42, %iota3A : vector<16xi32>
    %rem3A_44 = arith.constant 16 : i32
    %rem3A_45 = vector.broadcast %rem3A_44 : i32 to vector<16xi32>
    %rem3A_46 = arith.remsi %mul3A_43, %rem3A_45 : vector<16xi32>
    %broadcast_in_dim3A_47 = vector.shape_cast %rem3A_46 : vector<16xi32> to vector<16x1xi32>
    %gather3A_48 = vector.shape_cast %broadcast_in_dim3A_47 : vector<16x1xi32> to vector<16xi32>
    %gather3A_49 = tpu.dynamic_gather %select_n3A_40[%gather3A_48] in [0] : vector<16xi32>, vector<16xi32> -> vector<16xi32>
    %add3A_50 = arith.constant 1 : i32
    %add3A_51 = vector.broadcast %add3A_50 : i32 to vector<16xi32>
    %add3A_52 = arith.addi %rem3A_46, %add3A_51 : vector<16xi32>
    %broadcast_in_dim3A_53 = vector.shape_cast %add3A_52 : vector<16xi32> to vector<16x1xi32>
    %gather3A_54 = vector.shape_cast %broadcast_in_dim3A_53 : vector<16x1xi32> to vector<16xi32>
    %gather3A_55 = tpu.dynamic_gather %select_n3A_40[%gather3A_54] in [0] : vector<16xi32>, vector<16xi32> -> vector<16xi32>
    %add3A_56 = arith.addi %gather3A_49, %gather3A_55 : vector<16xi32>
    %select_n3A_57 = arith.select %lt3A_5, %add3A_27, %add3A_56 : vector<16xi1>, vector<16xi32>
    %add3A_58 = vector.broadcast %min3A_1 : i32 to vector<16xi32>
    %add3A_59 = arith.addi %add3A_58, %iota3A : vector<16xi32>
    %div3A = arith.constant 21 : i32
    %div3A_60 = vector.broadcast %div3A : i32 to vector<16xi32>
    %div3A_61 = arith.divsi %add3A_59, %div3A_60 : vector<16xi32>
    %mul3A_62 = arith.constant 16384 : i32
    %mul3A_63 = vector.broadcast %mul3A_62 : i32 to vector<16xi32>
    %mul3A_64 = arith.muli %div3A_61, %mul3A_63 : vector<16xi32>
    %add3A_65 = arith.addi %mul3A_64, %select_n3A_57 : vector<16xi32>
    %swap3A = arith.constant 0 : index
    %swap3A_66 = tpu.vector_load %arg6[%swap3A] {strides = array<i32>} : memref<16xi32, #tpu.memory_space<vmem>>, vector<16xi32>,
    %swap3A_67 = vector.shape_cast %swap3A_66 : vector<16xi32> to vector<16xi32>
    %swap3A_68 = vector.shape_cast %add3A_65 : vector<16xi32> to vector<16xi32>
    tpu.vector_store %arg6[%swap3A], %swap3A_68 {strides = array<i32>} : memref<16xi32, #tpu.memory_space<vmem>>, vector<16xi32>,
    %dma_start3A = arith.constant 0 : i32
    %dma_start3A_69 = arith.constant 0 : i32
    %dma_start3A_70 = tpu.memref_slice %arg3[%dma_start3A, %dma_start3A_69] : memref<131072x256xf32, #tpu.memory_space<hbm>> -> memref<131072x256xf32, #tpu.memory_space<hbm>>
    tpu.enqueue_indirect_dma source(%dma_start3A_70 : memref<131072x256xf32, #tpu.memory_space<hbm>>) target(%arg7 : memref<16x256xf32, #tpu.memory_space<vmem>>) offsets(%arg6 : memref<16xi32, #tpu.memory_space<vmem>>) semaphore(%arg8 : memref<!tpu.dma_semaphore, #tpu.memory_space<semaphore_mem>>)
    %dma_wait3A = arith.constant 0 : i32
    %dma_wait3A_71 = arith.constant 0 : i32
    %dma_wait3A_72 = tpu.memref_slice %arg3[%dma_wait3A, %dma_wait3A_71] : memref<131072x256xf32, #tpu.memory_space<hbm>> -> memref<131072x256xf32, #tpu.memory_space<hbm>>
    tpu.wait_indirect_dma semaphore(%arg8 : memref<!tpu.dma_semaphore, #tpu.memory_space<semaphore_mem>>) src(%dma_wait3A_72 : memref<131072x256xf32, #tpu.memory_space<hbm>>) dst(%arg7 : memref<16x256xf32, #tpu.memory_space<vmem>>)
    %lt3A_73 = arith.constant 10 : i32
    %lt3A_74 = arith.cmpi slt, %arg1, %lt3A_73 : i32
    %convert_element_type3A = arith.extui %lt3A_74 : i1 to i32
    %cond3A = arith.constant 0 : i32
    %cond3A_75 = arith.cmpi ne, %convert_element_type3A, %cond3A : i32
    scf.if %cond3A_75 {
      "tpu.region"() ({
        %run_scoped3A = tpu.sem_alloc : memref<!tpu.dma_semaphore, #tpu.memory_space<semaphore_mem>>
        %dma_start3A_81 = arith.constant 0 : i32
        %dma_start3A_82 = tpu.memref_slice %arg4[%min3A_1, %dma_start3A_81] : memref<168x256xf32, #tpu.memory_space<hbm>> -> memref<16x256xf32, #tpu.memory_space<hbm>>
        %dma_start3A_83 = arith.constant 0 : i32
        %dma_start3A_84 = tpu.memref_slice %arg4[%min3A_1, %dma_start3A_83] : memref<168x256xf32, #tpu.memory_space<hbm>> -> memref<16x256xf32, #tpu.memory_space<hbm>>
        tpu.enqueue_dma source(%arg7 : memref<16x256xf32, #tpu.memory_space<vmem>>) target(%dma_start3A_84 : memref<16x256xf32, #tpu.memory_space<hbm>>) target_semaphore(%run_scoped3A : memref<!tpu.dma_semaphore, #tpu.memory_space<semaphore_mem>>)
        %dma_wait3A_85 = arith.constant 0 : i32
        %dma_wait3A_86 = tpu.memref_slice %arg4[%min3A_1, %dma_wait3A_85] : memref<168x256xf32, #tpu.memory_space<hbm>> -> memref<16x256xf32, #tpu.memory_space<hbm>>
        %dma_wait3A_87 = arith.constant 0 : i32
        %dma_wait3A_88 = tpu.memref_slice %arg4[%min3A_1, %dma_wait3A_87] : memref<168x256xf32, #tpu.memory_space<hbm>> -> memref<16x256xf32, #tpu.memory_space<hbm>>
        tpu.wait_dma2 semaphore(%run_scoped3A : memref<!tpu.dma_semaphore, #tpu.memory_space<semaphore_mem>>) src(%arg7 : memref<16x256xf32, #tpu.memory_space<vmem>>) dst(%dma_wait3A_88 : memref<16x256xf32, #tpu.memory_space<hbm>>)
        tpu.yield
      }) : () -> ()
    } else {
    }
    %eq3A_76 = arith.constant 10 : i32
    %eq3A_77 = arith.cmpi eq, %arg1, %eq3A_76 : i32
    %convert_element_type3A_78 = arith.extui %eq3A_77 : i1 to i32
    %cond3A_79 = arith.constant 0 : i32
    %cond3A_80 = arith.cmpi ne, %convert_element_type3A_78, %cond3A_79 : i32
    scf.if %cond3A_80 {
      "tpu.region"() ({
        %run_scoped3A = tpu.sem_alloc : memref<!tpu.dma_semaphore, #tpu.memory_space<semaphore_mem>>
        %dma_start3A_81 = arith.constant 8 : i32
        %dma_start3A_82 = arith.constant 0 : i32
        %dma_start3A_83 = tpu.memref_slice %arg7[%dma_start3A_81, %dma_start3A_82] : memref<16x256xf32, #tpu.memory_space<vmem>> -> memref<8x256xf32, #tpu.memory_space<vmem>>
        %dma_start3A_84 = arith.constant 160 : i32
        %dma_start3A_85 = arith.constant 0 : i32
        %dma_start3A_86 = tpu.memref_slice %arg4[%dma_start3A_84, %dma_start3A_85] : memref<168x256xf32, #tpu.memory_space<hbm>> -> memref<8x256xf32, #tpu.memory_space<hbm>>
        %dma_start3A_87 = arith.constant 160 : i32
        %dma_start3A_88 = arith.constant 0 : i32
        %dma_start3A_89 = tpu.memref_slice %arg4[%dma_start3A_87, %dma_start3A_88] : memref<168x256xf32, #tpu.memory_space<hbm>> -> memref<8x256xf32, #tpu.memory_space<hbm>>
        %dma_start3A_90 = arith.constant 8 : i32
        %dma_start3A_91 = arith.constant 0 : i32
        %dma_start3A_92 = tpu.memref_slice %arg7[%dma_start3A_90, %dma_start3A_91] : memref<16x256xf32, #tpu.memory_space<vmem>> -> memref<8x256xf32, #tpu.memory_space<vmem>>
        tpu.enqueue_dma source(%dma_start3A_92 : memref<8x256xf32, #tpu.memory_space<vmem>>) target(%dma_start3A_89 : memref<8x256xf32, #tpu.memory_space<hbm>>) target_semaphore(%run_scoped3A : memref<!tpu.dma_semaphore, #tpu.memory_space<semaphore_mem>>)
        %dma_wait3A_93 = arith.constant 8 : i32
        %dma_wait3A_94 = arith.constant 0 : i32
        %dma_wait3A_95 = tpu.memref_slice %arg7[%dma_wait3A_93, %dma_wait3A_94] : memref<16x256xf32, #tpu.memory_space<vmem>> -> memref<8x256xf32, #tpu.memory_space<vmem>>
        %dma_wait3A_96 = arith.constant 160 : i32
        %dma_wait3A_97 = arith.constant 0 : i32
        %dma_wait3A_98 = tpu.memref_slice %arg4[%dma_wait3A_96, %dma_wait3A_97] : memref<168x256xf32, #tpu.memory_space<hbm>> -> memref<8x256xf32, #tpu.memory_space<hbm>>
        %dma_wait3A_99 = arith.constant 160 : i32
        %dma_wait3A_100 = arith.constant 0 : i32
        %dma_wait3A_101 = tpu.memref_slice %arg4[%dma_wait3A_99, %dma_wait3A_100] : memref<168x256xf32, #tpu.memory_space<hbm>> -> memref<8x256xf32, #tpu.memory_space<hbm>>
        %dma_wait3A_102 = arith.constant 8 : i32
        %dma_wait3A_103 = arith.constant 0 : i32
        %dma_wait3A_104 = tpu.memref_slice %arg7[%dma_wait3A_102, %dma_wait3A_103] : memref<16x256xf32, #tpu.memory_space<vmem>> -> memref<8x256xf32, #tpu.memory_space<vmem>>
        tpu.wait_dma2 semaphore(%run_scoped3A : memref<!tpu.dma_semaphore, #tpu.memory_space<semaphore_mem>>) src(%dma_wait3A_104 : memref<8x256xf32, #tpu.memory_space<vmem>>) dst(%dma_wait3A_101 : memref<8x256xf32, #tpu.memory_space<hbm>>)
        tpu.yield
      }) : () -> ()
    } else {
    }
    return
  }
}

</mosaic_0001>

<sc_bundles>
// kernel: kernel.3.cloned.1.call-start
scs
__scs_entry_jumppad:
0x0: {  	(pc) =	sbr.rel $0x88, $3  }
0x1: {  	(tag) =	ssettag $0x0;
	lr =	simm.s32 $0x1  }
0x2: {  	[smem:$0x3F9F] =	sst lr;
	_ =	strace $0xD0000000  }
0x3: {  	_ = 	snop  }
0x4: {  	_ = 	snop  }
0x5: {  	_ = 	snop  }
0x6: {  	_ = 	snop  }
0x7: {  	_ = 	snop  }
__scs_overlays_trampoline_lowered:
0x8: {  	[smem:$0x3FAE] =	sst s0  }
0x9: {  	[smem:$0x3FAF] =	sst s1  }
0xa: {  	[smem:$0x3FB0] =	sst s2  }
0xb: {  	[smem:$0x3FB1] =	sst s3  }
0xc: {  	[smem:$0x3FB2] =	sst s4  }
0xd: {  	[smem:$0x3FB3] =	sst s5  }
0xe: {  	[smem:$0x3FB4] =	sst s6  }
0xf: {  	[smem:$0x3FB5] =	sst s7  }
0x10: {  	[smem:$0x3FB6] =	sst s8  }
0x11: {  	[smem:$0x3FB7] =	sst s9;
	s0 =	simm.s32 @!p0 $0x0  }
0x12: {  	s1 =	sld [smem:$0x3F9D];
	s0 =	simm.s32 @p0 $0x1  }
0x13: {  	[smem:$0x3FB8] =	sst s0;
	s0 =	simm.s32 @!p1 $0x0  }
0x14: {  	s2 =	sld [smem:$0x3F9C];
	s0 =	simm.s32 @p1 $0x1  }
0x15: {  	[smem:$0x3FB9] =	sst s0;
	s0 =	simm.s32 @!p2 $0x0  }
0x16: {  	s3 =	sld [smem:$0x3FDB];
	s0 =	simm.s32 @p2 $0x1  }
0x17: {  	s4 =	simm.s32 $0x1BF5;
	[smem:$0x3FBB] =	sst s0  }
0x18: {  	s0 =	sld [smem:$0x3F9E];
	_ =	swait.ge [sflag:s4], $0x0  }
0x19: {  	s7 =	sld [smem:$0x3F9F]  }
0x1a: {  	s8 =	sadd.s32 $0xFFFFE003, lr  }
0x1b: {  	s9 =	sadd.s32 $0xFFFFFEF7, lr;
	s5 =	simm.s32 $0xFFFFFFFF;
	p2 =	slt.u32 s8, $0xFFFFF086  }
0x1c: {  	p1 =	slt.u32 s9, $0xF7A;
	s5 =	simm.s32 @!p2 $0x0  }
0x1d: {  	s5 =	simm.s32 @p1 $0x1;
	p0 =	seq.s32 s7, s2  }
0x1e: {  	s7 =	smul.u32 @!p0 $0xF7A, s2;
	p2 =	seq.s32 @!p0 s5, $0x0  }
0x1f: {  	s9 =	smul.u32 $0xF7A, s1;
	s8 =	simm.s32 @!p0 $0x1BF5;
	p2 =	por !p2, p0  }
0x20: {  	[sflag:s8] =	ssyncset.s32 @!p0 $0xFFFFF086;
	s6 =	sadd.s32 @!p0 s3, s7;
	s7 =	simm.s32 @!p0 $0x108  }
0x21: {  	s3 =	sadd.s32 s3, s9;
	s6 =	sadd.s32 @!p0 $0x88, s6;
	s7 =	simm.s32 @p2 $0x1082  }
0x22: {  	[simem:s7], [sflag:s8] =	dma.local @!p0 [hbm:s6], $0xF7A  }
0x23: {  	s9 =	sor.u32 $0xD0000000, s2;
	s6 =	simm.s32 $0x108;
	_ =	swait.ge @!p0 [sflag:s8], $0x0  }
0x24: {  	s3 =	sadd.s32 $0x88, s3;
	s6 =	simm.s32 @!p1 $0x1082;
	[sflag:s4] =	ssyncset.s32 $0xFFFFF086  }
0x25: {  	[simem:s6], [sflag:s4] =	dma.local [hbm:s3], $0xF7A  }
0x26: {  	[smem:$0x3F9F] =	sst s1;
	(tag) =	ssettag s2;
	_ =	strace s9  }
0x27: {  	s1 =	sld [smem:$0x3FAF]  }
0x28: {  	s2 =	sld [smem:$0x3FB0]  }
0x29: {  	s4 =	sld [smem:$0x3FB2]  }
0x2a: {  	p0 =	seq.s32 s5, $0x0;
	s5 =	sld [smem:$0x3FB3]  }
0x2b: {  	s6 =	sld [smem:$0x3FB4]  }
0x2c: {  	s7 =	sld [smem:$0x3FB5]  }
0x2d: {  	s3 =	simm.s32 $0x108;
	s8 =	sld [smem:$0x3FB6]  }
0x2e: {  	s3 =	simm.s32 @!p0 $0x1082;
	s9 =	sld [smem:$0x3FB7]  }
0x2f: {  	lr =	sadd.s32 s0, s3;
	s0 =	sld [smem:$0x3FAE]  }
0x30: {  	s3 =	sld [smem:$0x3FB1]  }
0x31: {  	[smem:$0x3FBA] =	sst s10  }
0x32: {  	s10 =	sld [smem:$0x3FB8];
	_ =	sdelay $0x3  }
0x33: {  	p0 =	seq.s32 s10, $0x1;
	s10 =	sld [smem:$0x3FBA];
	_ =	sdelay $0x3  }
0x34: {  	[smem:$0x3FBA] =	sst s10  }
0x35: {  	s10 =	sld [smem:$0x3FB9];
	_ =	sdelay $0x3  }
0x36: {  	p1 =	seq.s32 s10, $0x1;
	s10 =	sld [smem:$0x3FBA];
	_ =	sdelay $0x3  }
0x37: {  	[smem:$0x3FBA] =	sst s10  }
0x38: {  	s10 =	sld [smem:$0x3FBB]  }
0x39: {  	_ = 	snop;
	(pc) =	sbr.ind lr, $3  }
0x3a: {  	_ = 	snop  }
0x3b: {  	_ = 	snop  }
0x3c: {  	p2 =	seq.s32 s10, $0x1;
	s10 =	sld [smem:$0x3FBA]  }
0x3d: {  	_ =	shalt  }
0x3e: {  	_ =	shalt  }
0x3f: {  	_ =	shalt  }
0x40: {  	_ =	shalt  }
0x41: {  	_ =	shalt  }
0x42: {  	_ =	shalt  }
0x43: {  	_ =	shalt  }
0x44: {  	_ =	shalt  }
0x45: {  	_ =	shalt  }
0x46: {  	_ =	shalt  }
0x47: {  	_ =	shalt  }
0x48: {  	_ =	shalt  }
0x49: {  	_ =	shalt  }
0x4a: {  	_ =	shalt  }
0x4b: {  	_ =	shalt  }
0x4c: {  	_ =	shalt  }
0x4d: {  	_ =	shalt  }
0x4e: {  	_ =	shalt  }
0x4f: {  	_ =	shalt  }
0x50: {  	_ =	shalt  }
0x51: {  	_ =	shalt  }
0x52: {  	_ =	shalt  }
0x53: {  	_ =	shalt  }
0x54: {  	_ =	shalt  }
0x55: {  	_ =	shalt  }
0x56: {  	_ =	shalt  }
0x57: {  	_ =	shalt  }
0x58: {  	_ =	shalt  }
0x59: {  	_ =	shalt  }
0x5a: {  	_ =	shalt  }
0x5b: {  	_ =	shalt  }
0x5c: {  	_ =	shalt  }
0x5d: {  	_ =	shalt  }
0x5e: {  	_ =	shalt  }
0x5f: {  	_ =	shalt  }
0x60: {  	_ =	shalt  }
0x61: {  	_ =	shalt  }
0x62: {  	_ =	shalt  }
0x63: {  	_ =	shalt  }
0x64: {  	_ =	shalt  }
0x65: {  	_ =	shalt  }
0x66: {  	_ =	shalt  }
0x67: {  	_ =	shalt  }
0x68: {  	_ =	shalt  }
0x69: {  	_ =	shalt  }
0x6a: {  	_ =	shalt  }
0x6b: {  	_ =	shalt  }
0x6c: {  	_ =	shalt  }
0x6d: {  	_ =	shalt  }
0x6e: {  	_ =	shalt  }
0x6f: {  	_ =	shalt  }
0x70: {  	_ =	shalt  }
0x71: {  	_ =	shalt  }
0x72: {  	_ =	shalt  }
0x73: {  	_ =	shalt  }
0x74: {  	_ =	shalt  }
0x75: {  	_ =	shalt  }
0x76: {  	_ =	shalt  }
0x77: {  	_ =	shalt  }
0x78: {  	_ =	shalt  }
0x79: {  	_ =	shalt  }
0x7a: {  	_ =	shalt  }
0x7b: {  	_ =	shalt  }
0x7c: {  	_ =	shalt  }
0x7d: {  	_ =	shalt  }
0x7e: {  	_ =	shalt  }
0x7f: {  	_ =	shalt  }
0x80: {  	_ =	shalt  }
0x81: {  	_ =	shalt  }
0x82: {  	_ =	shalt  }
0x83: {  	_ =	shalt  }
0x84: {  	_ =	shalt  }
0x85: {  	_ =	shalt  }
0x86: {  	_ =	shalt  }
0x87: {  	_ =	shalt  }
.Lfunc_end0:
.L_simem_size_0:
called_computation_lowered:
.L_overlay_start_0:
0x88: {  	s0 =	sld [smem:$0x3FD9]  }
0x89: {  	s1 =	sld [smem:$0x3FFE];
	_ =	sdelay $0x3  }
0x8a: {  	s0 =	sadd.s32 s1, s0  }
0x8b: {  	[smem:$0x3FC6] =	sst s0  }
0x8c: {  	_ = 	snop  }
0x8d: {  	s0 =	sld [smem:$0x3FC9]  }
0x8e: {  	s16 =	sld [smem:$0x3FD0];
	(tm) =	ssettm $0x1  }
0x8f: {  	s2 =	sld [smem:$0x3FFB];
	_ =	sdelay $0x3  }
0x90: {  	_ =	strace s2  }
0x91: {  	s2 =	sld [smem:$0x3FFC];
	_ =	sdelay $0x3  }
0x92: {  	_ =	strace s2  }
0x93: {  	s2 =	sld [smem:$0x3FFD];
	_ =	sdelay $0x3  }
0x94: {  	_ =	strace s2  }
0x95: {  	_ =	strace $0x8FFFFFFF  }
0x96: {  	s17 =	sld [smem:$0x3FDB];
	_ =	sdelay $0x1  }
0x97: {  	s3 =	simm.s32 $_scs_section_size  }
0x98: {  	s4 =	simm.s32 $_size__tile_overlayer_lowered;
	s5 =	simm.s32 $_tile_overlayer_lowered  }
0x99: {  	s20 =	simm.s32 $0x1BFF;
	s19 =	sshll.u32 s5, $0x1;
	s2 =	sadd.s32 s3, s17  }
0x9a: {  	s6 =	simm.s32 $0x0;
	s18 =	sshll.u32 s4, $0x1;
	s4 =	sadd.s32 s19, s2  }
0x9b: {  	[timem:s6], [sflag:s20] =	dma.local [hbm:s4], s18  }
0x9c: {  	_ =	swait.ge [sflag:s20], s18  }
0x9d: {  	s3 =	ssub.s32 $0x0, s18;
	[sflag:s20] =	ssyncset.done $0x0  }
0x9e: {  	[sflag:s20] =	ssyncadd.s32 s3;
	_ =	sdelay $0x1  }
0x9f: {  	s21 =	simm.s32 $0x1B8B  }
0xa0: {  	_ =	swait.ge [sflag:s21], $0x1  }
0xa1: {  	[sflag:s21] =	ssyncset.done $0x0  }
0xa2: {  	s23 =	simm.s32 $0x1B8E;
	s22 =	sld [smem:$0x3FFE];
	[sflag:s21] =	ssyncadd.s32 $0xFFFFFFFF  }
0xa3: {  	s24 =	simm.s32 $execute0_lowered;
	[smem:$0x3FD2] =	sst s23  }
0xa4: {  	s4 =	sshll.u32 s24, $0x1;
	_ =	strace $0x80000046;
	[dreg:$0x1] =	wrdreg $0xFFFFFFFF  }
0xa5: {  	s25 =	simm.s32 $_size_execute0_lowered;
	s2 =	sadd.s32 s2, s4;
	[dreg:$0x0] =	wrdreg $0x0  }
0xa6: {  	s4 =	sshll.u32 s25, $0x1;
	[dreg:$0x2] =	wrdreg s2  }
0xa7: {  	[dreg:$0x3] =	wrdreg s4  }
0xa8: {  	[dreg:$0x4] =	wrdreg $0xC0  }
0xa9: {  	_ =	task [dreg:s6], $0x5FFFF  }
0xaa: {  	[dreg:$0x1] =	wrdreg $0xFFFFFFFF  }
0xab: {  	[dreg:$0x0] =	wrdreg $0x60  }
0xac: {  	[dreg:$0x2] =	wrdreg s22  }
0xad: {  	[dreg:$0x3] =	wrdreg s0  }
0xae: {  	[dreg:$0x4] =	wrdreg s16  }
0xaf: {  	[dreg:$0x5] =	wrdreg $0x9  }
0xb0: {  	_ =	task.clear_ibuf [dreg:s6], $0x6FFFF;
	_ =	strace $0x90000046  }
0xb1: {  	s26 =	simm.s32 $0x9;
	_ =	strace $0x80000048  }
0xb2: {  	_ =	swait.ge [sflag:s26], $0x1  }
0xb3: {  	[sflag:s26] =	ssyncadd.s32 $0xFFFFFFFF  }
0xb4: {  	_ =	strace $0x90000048  }
0xb5: {  	_ =	sfence  }
0xb6: {  	s28 =	sld [smem:$0x0];
	_ =	sdelay $0x1  }
0xb7: {  	s29 =	srdreg.scid  }
0xb8: {  	s30 =	sshll.u32 s29, $0xD;
	s31 =	sshrl.u32 s29, $0x2  }
0xb9: {  	s1 =	sand.u32 $0x1, s29;
	s2 =	sand.u32 $0x4000, s30;
	s0 =	sadd.s32 s31, s28  }
0xba: {  	s1 =	sor.u32 s2, s1;
	s0 =	sshll.u32 s0, $0x11  }
0xbb: {  	s0 =	sor.u32 s0, s1  }
0xbc: {  	s0 =	sadd.s32 $0x8F2B, s0  }
0xbd: {  	[sflag:s0] =	ssyncadd.remote.s32 $0x1  }
0xbe: {  	_ =	sfence.sel $0xFFFF  }
0xbf: {  	[dreg:$0x0] =	wrdreg $0xFFFFFFFF;
	(pc) =	sbr.abs _section_cstart, $3  }
0xc0: {  	[dreg:$0x1] =	wrdreg $0xFFFFFFFF  }
0xc1: {  	_ =	task.clear_ibuf [dreg:s6], $0x2FFFF;
	_ =	strace $0x9FFFFFFF  }
0xc2: {  	(tm) =	ssettm $0x7FFFFFFF  }
0xc3: {  	_ =	shalt  }
tec
execute0_lowered:
.L_overlay_start_1:
0x0: {  	(tag) =	ssettag $0x1  }
0x1: {  	s1 =	stileid.u32  }
0x2: {  	p0 =	sgt.u32 s1, $0xA  }
.Ltmp0:
0x3: {  	s5 =	rddreg [dreg:$0x0];
	(pc) =	sbr.rel @p0 .LBB2_2-.Ltmp0, $4  }
0x4: {  	s3 =	rddreg [dreg:$0x1]  }
0x5: {  	s2 =	rddreg [dreg:$0x2];
	s4 =	simm.s32 $0x0  }
0x6: {  	[smem:$0x7FF] =	sst s4  }
0x7: {  	s0 =	rddreg [dreg:$0x3];
	_ =	strace $0x80000047  }
0x8: {  	s6 =	sshll.u32 s1, $0x4  }
0x9: {  	s6 =	smin.u32 s6, $0x98  }
0xa: {  	s5 =	sadd.s32 $0x400, s5;
	s7 =	sshrl.u32 s6, $0x2  }
0xb: {  	s28 =	simm.s32 $0x2;
	s5 =	sadd.s32 s5, s7  }
0xc: {  	[tilespmem:s4], [sflag:$0x2] =	stream.linear.gather [hbm4b:s5+s4], $0x20, $0x38;
	[tilespmem:$0x1100] =	vst v63  }
0xd: {  	_ =	swait.ge [sflag:s28], $0x20  }
0xe: {  	[sflag:s28] =	ssyncset.done $0x0  }
0xf: {  	[sflag:s28] =	ssyncadd.s32 $0xFFFFFFE0  }
0x10: {  	v0 =	vlaneseq.u32;
	v1 =	vld [tilespmem:$0x0]  }
0x11: {  	v2 =	vand.u32 $0x1, v0;
	v3 =	vld [tilespmem:$0x10]  }
0x12: {  	v4 =	vand.u32 $0x7, v0;
	v2 =	vmul.u32 $0xFFFFFFF9, v2  }
0x13: {  	v5 =	vmul.u32 $0x2, v4  }
0x14: {  	v2 =	vadd.s32 $0x7, v2  }
0x15: {  	v6 =	vor.u32 $0x1, v5;
	v1 =	vshll.u32 v1, v2  }
0x16: {  	v2 =	vshll.u32 v3, v2;
	v7 =	vperm.xlane v1, v5;
	v1 =	vperm.xlane v1, v6  }
0x17: {  	v62 =	vadd.s32 s6, v0;
	v5 =	vperm.xlane v2, v5;
	v2 =	vperm.xlane v2, v6  }
0x18: {  	v3 =	vmulhi.u32 $0xC30C30D, v62  }
0x19: {  	vm0 =	vmmov $0xff;
	v1 =	vadd.s32 v7, v1;
	v2 =	vadd.s32 v5, v2  }
0x1a: {  	v3 =	vshll.u32 v3, $0xE;
	v1 =	vsel vm0, v1, v2  }
0x1b: {  	v2 =	vadd.s32 v3, v1  }
0x1c: {  	v3 =	vshll.u32 v2, $0x1  }
0x1d: {  	v1 =	vand.u32 $0x7, v1;
	v3 =	vand.u32 $0xFFFFFFF0, v3  }
0x1e: {  	v63 =	vshrl.u32 v0, $0x3;
	v1 =	vor.u32 v1, v3  }
0x1f: {  	v3 =	vmul.u32 $0x8, v63;
	v4 =	vperm.xlane v1, v4  }
0x20: {  	v0 =	vor.u32 $0x8, v0  }
0x21: {  	v0 =	vperm.xlane v1, v0;
	v4 =	vadd.s32 v3, v4;
	_ =	sdelay $0x1  }
0x22: {  	v0 =	vadd.s32 v3, v0;
	_ =	sdelay $0x1  }
0x23: {  	vm15 =	vmmov $0xffff;
	s29 =	simm.s32 $0x100;
	[tilespmem:$0x80] =	vst v2  }
0x24: {  	[tilespmem:s29], [sflag:$0x1] =	stream.indirect_vreg.gather [hbm4b:s3+s4], $0x80, v4, vm15, $0xb8;
	[tilespmem:$0x1100] =	vst v63  }
0x25: {  	s30 =	simm.s32 $0x900;
	s31 =	simm.s32 $0x1  }
0x26: {  	[tilespmem:s30], [sflag:$0x1] =	stream.indirect_vreg.gather [hbm4b:s3+s4], $0x80, v0, vm15, $0xb8;
	[tilespmem:$0x1100] =	vst v63  }
0x27: {  	p0 =	seq.s32 s1, $0xA;
	_ =	swait.ge [sflag:s31], $0x1000  }
0x28: {  	s5 =	simm.s32 @p0 $0x900;
	[sflag:s31] =	ssyncset.done $0x0  }
0x29: {  	s3 =	sadd.s32 @p0 $0x1400, s2;
	s4 =	simm.s32 @p0 $0x0;
	[sflag:s31] =	ssyncadd.s32 $0xFFFFF000  }
0x2a: {  	[hbm4b:s3+s4] =	stream.linear.scatter @p0 [tilespmem:s5], [sflag:$0x2], $0x800, $0x38;
	[tilespmem:$0x1100] =	vst v63  }
0x2b: {  	s3 =	simm.s32 @p0 $0x2  }
0x2c: {  	_ =	swait.ge @p0 [sflag:s3], $0x800  }
0x2d: {  	[sflag:s3] =	ssyncset.done @p0 $0x0  }
0x2e: {  	[sflag:s3] =	ssyncadd.s32 @p0 $0xFFFFF800;
	s3 =	sshll.u32 @!p0 s6, $0x5  }
0x2f: {  	s4 =	simm.s32 @!p0 $0x100;
	s2 =	sadd.s32 @!p0 s2, s3;
	s3 =	simm.s32 @!p0 $0x0  }
0x30: {  	[hbm4b:s2+s3] =	stream.linear.scatter @!p0 [tilespmem:s4], [sflag:$0x2], $0x1000, $0x38;
	[tilespmem:$0x1100] =	vst v63  }
0x31: {  	s2 =	simm.s32 @!p0 $0x2  }
0x32: {  	_ =	swait.ge @!p0 [sflag:s2], $0x1000  }
0x33: {  	[sflag:s2] =	ssyncset.done @!p0 $0x0  }
0x34: {  	[sflag:s2] =	ssyncadd.s32 @!p0 $0xFFFFF000  }
.LBB2_2:
0x35: {  	_ =	sfence.sel $0x180000  }
0x36: {  	[bflag:$0x0] =	sbarrier.arrive $0xFFFF  }
0x37: {  	p0 =	sne.s32 s1, $0x0;
	_ =	strace $0x90000047  }
0x38: {  	s0 =	sadd.s32 @!p0 $0x100000, s0;
	[bflag:$0x2] =	sbarrier.arrive $0xFFFF  }
0x39: {  	[sflag:s0] =	ssyncadd.tile.s32 @!p0 $0x1;
	_ =	shalt  }
.Lfunc_end2:
_tile_overlayer_lowered:
.L_overlay_start_2:
0x3a: {  	(tag) =	ssettag $0x2  }
0x3b: {  	s0 =	rddreg [dreg:$0x0];
	s2 =	stileid.u32  }
0x3c: {  	s1 =	rddreg [dreg:$0x1];
	p0 =	sne.s32 s2, $0x0  }
0x3d: {  	s3 =	rddreg [dreg:$0x2];
	[bflag:$0x3] =	sbarrier.arrive $0xFFFF;
	s2 =	simm.s32 @!p0 $0x1C02  }
0x3e: {  	[timem:s3], [sflag:s2] =	dma.local @!p0 [hbm:s0], s1  }
0x3f: {  	s0 =	simm.s32 @!p0 $0x2  }
0x40: {  	_ =	swait.ge @!p0 [sflag:s0], s1  }
0x41: {  	s1 =	ssub.s32 @!p0 $0x0, s1;
	[sflag:s0] =	ssyncset.done @!p0 $0x0  }
0x42: {  	[sflag:s0] =	ssyncadd.s32 @!p0 s1  }
0x43: {  	[bflag:$0x3] =	sbarrier.arrive $0xFFFF  }
0x44: {  	_ =	shalt  }

</sc_bundles>
